<compile_context>
chip_gen: v7x
topology: tpu7x:2x2x1
jax: 0.10.2.dev20260603
libtpu: 0.0.44.dev20260713+nightly
codegen_flags: <defaults>
</compile_context>

<pallas_src>
import functools

import jax
import jax.numpy as jnp
from jax import lax
from jax.experimental import pallas as pl
from jax.experimental.pallas import tpu as pltpu
from jax.experimental.pallas import tpu_sc as plsc

BATCH = 1024
SEQ = 200
EMBED_DIM = 32
TOTAL = BATCH * SEQ

NC = 2
NS = 16
NW = NC * NS
CHUNK = 128
ROWS_PER_W = TOTAL // NW
CH_PER_W = ROWS_PER_W // CHUNK

_mesh = plsc.VectorSubcoreMesh(core_axis_name="c", subcore_axis_name="s")


@functools.partial(
    pl.kernel,
    mesh=_mesh,
    compiler_params=pltpu.CompilerParams(use_tc_tiling_on_sc=False),
    out_type=jax.ShapeDtypeStruct((TOTAL, EMBED_DIM), jnp.float32),
    scratch_types=[
        pltpu.VMEM((ROWS_PER_W,), jnp.int32),
        pltpu.VMEM((CHUNK, EMBED_DIM), jnp.float32),
        pltpu.SemaphoreType.DMA,
    ],
)
def _sc_gather(table_hbm, idx_hbm, out_hbm, idx_v, rows_v, sem):
    wid = lax.axis_index("s") * NC + lax.axis_index("c")
    rbase = wid * ROWS_PER_W
    pltpu.sync_copy(idx_hbm.at[pl.ds(rbase, ROWS_PER_W)], idx_v)

    def step(j, carry):
        idx_chunk = idx_v.at[pl.ds(j * CHUNK, CHUNK)]
        pltpu.async_copy(table_hbm.at[idx_chunk], rows_v, sem).wait()
        pltpu.sync_copy(rows_v, out_hbm.at[pl.ds(rbase + j * CHUNK, CHUNK)])
        return carry

    lax.fori_loop(0, CH_PER_W, step, 0)


_TR_BLK = 128


def _tracker_body(tr_ref, ids_ref, out_ref):
    w = pl.program_id(0)
    t = tr_ref[...]
    out_ref[...] = t

    @pl.when(w < BATCH // _TR_BLK)
    def _():
        col = lax.broadcasted_iota(jnp.int32, (_TR_BLK, 256), 1)
        out_ref[:, :256] = jnp.where(col < SEQ, ids_ref[...], t[:, :256])


def _tracker(tr, ids_pad):
    n = tr.shape[0] // _TR_BLK
    return pl.pallas_call(
        _tracker_body,
        grid=(n,),
        in_specs=[
            pl.BlockSpec((_TR_BLK, tr.shape[1]), lambda w: (w, 0)),
            pl.BlockSpec((_TR_BLK, 256), lambda w: (jnp.minimum(w, BATCH // _TR_BLK - 1), 0)),
        ],
        out_specs=pl.BlockSpec((_TR_BLK, tr.shape[1]), lambda w: (w, 0)),
        out_shape=jax.ShapeDtypeStruct(tr.shape, jnp.int32),
    )(tr, ids_pad)


def kernel(inp_ids, table, idx_tracker):
    ids32 = inp_ids.astype(jnp.int32)
    idx_flat = ids32.reshape(TOTAL)
    out = _sc_gather(table, idx_flat).reshape(BATCH, SEQ, EMBED_DIM)
    ids_pad = jnp.pad(ids32, ((0, 0), (0, 256 - SEQ)))
    tracker = _tracker(idx_tracker.astype(jnp.int32), ids_pad).astype(idx_tracker.dtype)
    return out, tracker

# --- scband reference (transcript-rebuilt; emitter-appended) ---
"""Pipeline reference for scband-embedding-token-idx-tracker-54425825575562 (READ-ONLY COPY).

The authoritative reference and input builder live on the scoring server;
editing this copy changes nothing except your own understanding.
"""

import jax, jax.numpy as jnp
import numpy as np

VOCAB = 1000000
EMBED_DIM = 32
BATCH = 1024
SEQ = 200


def setup_inputs(seed: int = 0) -> dict:
    key = jax.random.key(seed)
    k_idx, k_tab = jax.random.split(key)
    inp_ids = jax.random.randint(k_idx, (BATCH, SEQ), 0, VOCAB, dtype=jnp.int64)
    # Learned parameter: embedding table of the wrapped nn.Embedding
    table = jax.random.normal(k_tab, (VOCAB, EMBED_DIM), dtype=jnp.float32)
    # Registered buffer: idx_tracker, zeros[2048, 2048] int
    idx_tracker = jnp.zeros((2048, 2048), dtype=jnp.int64)
    return {"inp_ids": inp_ids, "table": table, "idx_tracker": idx_tracker}


def reference(inp_ids, table, idx_tracker):
    # Buffer side-effect from torch forward:
    #   self.idx_tracker[:inp_ids.shape[0], :inp_ids.shape[1]] = inp_ids
    # -> functional scatter-overwrite on the tracker buffer
    b, s = inp_ids.shape
    new_tracker = idx_tracker.at[:b, :s].set(inp_ids.astype(idx_tracker.dtype))
    # Embedding lookup: self.embed(inp_ids) -> gather rows of table
    out = jnp.take(table, inp_ids, axis=0)
    return (out, new_tracker)

if __name__ == "__main__":
    import jax
    _d = setup_inputs()
    print(jax.jit(kernel)(*tuple(_d.values())))

</pallas_src>

<mosaic_0001>
#map = affine_map<(d0, d1) -> (0, 0)>
#map1 = affine_map<(d0, d1) -> (0)>
module attributes {stable_mosaic.version = 14 : i64} {
  func.func @_sc_gather(%arg0: i32, %arg1: i32, %arg2: memref<1000000x32xf32, #tpu.memory_space<hbm>>, %arg3: memref<204800xi32, #tpu.memory_space<hbm>>, %arg4: memref<204800x32xf32, #tpu.memory_space<hbm>>, %arg5: memref<6400xi32, #tpu.memory_space<vmem>>, %arg6: memref<128x32xf32, #tpu.memory_space<vmem>>, %arg7: memref<!tpu.dma_semaphore, #tpu.memory_space<semaphore_mem>>) attributes {dimension_semantics = [#tpu.dimension_semantics<core_parallel>, #tpu.dimension_semantics<subcore_parallel>], iteration_bounds = array<i64: 2, 16>, scalar_prefetch = 0 : i64, scratch_operands = 3 : i64, tpu.core_type = #tpu.core_type<sc_vector_subcore>, window_params = [{transform_indices = #map}, {transform_indices = #map1}, {transform_indices = #map}]} {
    %mul3A = arith.constant 2 : i32
    %mul3A_0 = arith.muli %arg1, %mul3A : i32
    %add3A = arith.addi %mul3A_0, %arg0 : i32
    %mul3A_1 = arith.constant 6400 : i32
    %mul3A_2 = arith.muli %add3A, %mul3A_1 : i32
    "tpu.region"() ({
      %run_scoped3A = tpu.sem_alloc : memref<!tpu.dma_semaphore, #tpu.memory_space<semaphore_mem>>
      %dma_start3A = tpu.memref_slice %arg3[%mul3A_2] : memref<204800xi32, #tpu.memory_space<hbm>> -> memref<6400xi32, #tpu.memory_space<hbm>>
      %dma_start3A_8 = tpu.memref_slice %arg3[%mul3A_2] : memref<204800xi32, #tpu.memory_space<hbm>> -> memref<6400xi32, #tpu.memory_space<hbm>>
      tpu.enqueue_dma source(%dma_start3A_8 : memref<6400xi32, #tpu.memory_space<hbm>>) target(%arg5 : memref<6400xi32, #tpu.memory_space<vmem>>) target_semaphore(%run_scoped3A : memref<!tpu.dma_semaphore, #tpu.memory_space<semaphore_mem>>)
      %dma_wait3A = tpu.memref_slice %arg3[%mul3A_2] : memref<204800xi32, #tpu.memory_space<hbm>> -> memref<6400xi32, #tpu.memory_space<hbm>>
      %dma_wait3A_9 = tpu.memref_slice %arg3[%mul3A_2] : memref<204800xi32, #tpu.memory_space<hbm>> -> memref<6400xi32, #tpu.memory_space<hbm>>
      tpu.wait_dma2 semaphore(%run_scoped3A : memref<!tpu.dma_semaphore, #tpu.memory_space<semaphore_mem>>) src(%dma_wait3A_9 : memref<6400xi32, #tpu.memory_space<hbm>>) dst(%arg5 : memref<6400xi32, #tpu.memory_space<vmem>>)
      tpu.yield
    }) : () -> ()
    %scan3A = arith.constant 0 : i32
    %scan3A_3 = arith.constant 0 : i32
    %scan3A_4 = arith.constant 50 : i32
    %scan3A_5 = arith.addi %scan3A_3, %scan3A_4 : i32
    %scan3A_6 = arith.constant 1 : i32
    scf.for %scan3A_8 = %scan3A_3 to %scan3A_5 step %scan3A_6  : i32 {
      %mul3A_9 = arith.constant 128 : i32
      %mul3A_10 = arith.muli %scan3A_8, %mul3A_9 : i32
      %dma_start3A = tpu.memref_slice %arg5[%mul3A_10] : memref<6400xi32, #tpu.memory_space<vmem>> -> memref<128xi32, #tpu.memory_space<vmem>>
      %dma_start3A_11 = arith.constant 0 : i32
      %dma_start3A_12 = arith.constant 0 : i32
      %dma_start3A_13 = tpu.memref_slice %arg2[%dma_start3A_11, %dma_start3A_12] : memref<1000000x32xf32, #tpu.memory_space<hbm>> -> memref<1000000x32xf32, #tpu.memory_space<hbm>>
      tpu.enqueue_indirect_dma source(%dma_start3A_13 : memref<1000000x32xf32, #tpu.memory_space<hbm>>) target(%arg6 : memref<128x32xf32, #tpu.memory_space<vmem>>) offsets(%dma_start3A : memref<128xi32, #tpu.memory_space<vmem>>) semaphore(%arg7 : memref<!tpu.dma_semaphore, #tpu.memory_space<semaphore_mem>>)
      %dma_wait3A = tpu.memref_slice %arg5[%mul3A_10] : memref<6400xi32, #tpu.memory_space<vmem>> -> memref<128xi32, #tpu.memory_space<vmem>>
      %dma_wait3A_14 = arith.constant 0 : i32
      %dma_wait3A_15 = arith.constant 0 : i32
      %dma_wait3A_16 = tpu.memref_slice %arg2[%dma_wait3A_14, %dma_wait3A_15] : memref<1000000x32xf32, #tpu.memory_space<hbm>> -> memref<1000000x32xf32, #tpu.memory_space<hbm>>
      tpu.wait_indirect_dma semaphore(%arg7 : memref<!tpu.dma_semaphore, #tpu.memory_space<semaphore_mem>>) src(%dma_wait3A_16 : memref<1000000x32xf32, #tpu.memory_space<hbm>>) dst(%arg6 : memref<128x32xf32, #tpu.memory_space<vmem>>)
      %mul3A_17 = arith.constant 128 : i32
      %mul3A_18 = arith.muli %scan3A_8, %mul3A_17 : i32
      %add3A_19 = arith.addi %mul3A_2, %mul3A_18 : i32
      "tpu.region"() ({
        %run_scoped3A = tpu.sem_alloc : memref<!tpu.dma_semaphore, #tpu.memory_space<semaphore_mem>>
        %dma_start3A_20 = arith.constant 0 : i32
        %dma_start3A_21 = tpu.memref_slice %arg4[%add3A_19, %dma_start3A_20] : memref<204800x32xf32, #tpu.memory_space<hbm>> -> memref<128x32xf32, #tpu.memory_space<hbm>>
        %dma_start3A_22 = arith.constant 0 : i32
        %dma_start3A_23 = tpu.memref_slice %arg4[%add3A_19, %dma_start3A_22] : memref<204800x32xf32, #tpu.memory_space<hbm>> -> memref<128x32xf32, #tpu.memory_space<hbm>>
        tpu.enqueue_dma source(%arg6 : memref<128x32xf32, #tpu.memory_space<vmem>>) target(%dma_start3A_23 : memref<128x32xf32, #tpu.memory_space<hbm>>) target_semaphore(%run_scoped3A : memref<!tpu.dma_semaphore, #tpu.memory_space<semaphore_mem>>)
        %dma_wait3A_24 = arith.constant 0 : i32
        %dma_wait3A_25 = tpu.memref_slice %arg4[%add3A_19, %dma_wait3A_24] : memref<204800x32xf32, #tpu.memory_space<hbm>> -> memref<128x32xf32, #tpu.memory_space<hbm>>
        %dma_wait3A_26 = arith.constant 0 : i32
        %dma_wait3A_27 = tpu.memref_slice %arg4[%add3A_19, %dma_wait3A_26] : memref<204800x32xf32, #tpu.memory_space<hbm>> -> memref<128x32xf32, #tpu.memory_space<hbm>>
        tpu.wait_dma2 semaphore(%run_scoped3A : memref<!tpu.dma_semaphore, #tpu.memory_space<semaphore_mem>>) src(%arg6 : memref<128x32xf32, #tpu.memory_space<vmem>>) dst(%dma_wait3A_27 : memref<128x32xf32, #tpu.memory_space<hbm>>)
        tpu.yield
      }) : () -> ()
    }
    %scan3A_7 = arith.constant 50 : i32
    return
  }
}

module attributes {stable_mosaic.version = 14 : i64} {
  func.func @_tracker_body(%arg0: i32, %arg1: memref<128x2048xi32, #tpu.memory_space<vmem>>, %arg2: memref<128x256xi32, #tpu.memory_space<vmem>>, %arg3: memref<128x2048xi32, #tpu.memory_space<vmem>>) attributes {dimension_semantics = [#tpu.dimension_semantics<arbitrary>], iteration_bounds = array<i64: 16>, scalar_prefetch = 0 : i64, scratch_operands = 0 : i64, tpu.core_type = #tpu.core_type<tc>, window_params = [{transform_indices = @transform_0, window_bounds = array<i64: 128, 2048>}, {transform_indices = @transform_1, window_bounds = array<i64: 128, 256>}, {transform_indices = @transform_2, window_bounds = array<i64: 128, 2048>}]} {
    %get3A = arith.constant 0 : index
    %get3A_0 = arith.constant 0 : index
    %get3A_1 = vector.load %arg1[%get3A, %get3A_0] : memref<128x2048xi32, #tpu.memory_space<vmem>>, vector<128x2048xi32>
    %swap3A = arith.constant 0 : index
    %swap3A_2 = arith.constant 0 : index
    %swap3A_3 = vector.load %arg3[%swap3A, %swap3A_2] : memref<128x2048xi32, #tpu.memory_space<vmem>>, vector<128x2048xi32>
    tpu.vector_store %arg3[%swap3A, %swap3A_2], %get3A_1 {strides = array<i32>} : memref<128x2048xi32, #tpu.memory_space<vmem>>, vector<128x2048xi32>,
    %lt3A = arith.constant 8 : i32
    %lt3A_4 = arith.cmpi slt, %arg0, %lt3A : i32
    %convert_element_type3A = arith.extui %lt3A_4 : i1 to i32
    %cond3A = arith.constant 0 : i32
    %cond3A_5 = arith.cmpi ne, %convert_element_type3A, %cond3A : i32
    scf.if %cond3A_5 {
      %iota3A = tpu.iota {dimensions = array<i32: 1>} : vector<128x256xi32>
      %lt3A_6 = arith.constant 200 : i32
      %lt3A_7 = vector.broadcast %lt3A_6 : i32 to vector<128x256xi32>
      %lt3A_8 = arith.cmpi slt, %iota3A, %lt3A_7 : vector<128x256xi32>
      %get3A_9 = arith.constant 0 : index
      %get3A_10 = arith.constant 0 : index
      %get3A_11 = vector.load %arg2[%get3A_9, %get3A_10] : memref<128x256xi32, #tpu.memory_space<vmem>>, vector<128x256xi32>
      %slice3A = vector.extract_strided_slice %get3A_1 {offsets = [0, 0], sizes = [128, 256], strides = [1, 1]} : vector<128x2048xi32> to vector<128x256xi32>
      %select_n3A = arith.select %lt3A_8, %get3A_11, %slice3A : vector<128x256xi1>, vector<128x256xi32>
      %swap3A_12 = arith.constant 0 : index
      %swap3A_13 = arith.constant 0 : index
      %swap3A_14 = vector.load %arg3[%swap3A_12, %swap3A_13] : memref<128x2048xi32, #tpu.memory_space<vmem>>, vector<128x256xi32>
      tpu.vector_store %arg3[%swap3A_12, %swap3A_13], %select_n3A {strides = array<i32>} : memref<128x2048xi32, #tpu.memory_space<vmem>>, vector<128x256xi32>,
    } else {
    }
    return
  }
  func.func @transform_0(%arg0: i32) -> (i32, i32) {
    %c0_i32 = arith.constant 0 : i32
    %c0_i32_0 = arith.constant 0 : i32
    return %arg0, %c0_i32 : i32, i32
  }
  func.func @transform_1(%arg0: i32) -> (i32, i32) {
    %min3A = arith.constant 7 : i32
    %min3A_0 = arith.minsi %arg0, %min3A : i32
    %c0_i32 = arith.constant 0 : i32
    %c0_i32_1 = arith.constant 0 : i32
    return %min3A_0, %c0_i32 : i32, i32
  }
  func.func @transform_2(%arg0: i32) -> (i32, i32) {
    %c0_i32 = arith.constant 0 : i32
    %c0_i32_0 = arith.constant 0 : i32
    return %arg0, %c0_i32 : i32, i32
  }
}

</mosaic_0001>

<sc_bundles>
// kernel: kernel.4.cloned.1.call-start
scs
__scs_entry_jumppad:
0x0: {  	(pc) =	sbr.rel $0x88, $3  }
0x1: {  	(tag) =	ssettag $0x0;
	lr =	simm.s32 $0x1  }
0x2: {  	[smem:$0x3F9E] =	sst lr;
	_ =	strace $0xD0000000  }
0x3: {  	_ = 	snop  }
0x4: {  	_ = 	snop  }
0x5: {  	_ = 	snop  }
0x6: {  	_ = 	snop  }
0x7: {  	_ = 	snop  }
__scs_overlays_trampoline_lowered:
0x8: {  	[smem:$0x3FAD] =	sst s0  }
0x9: {  	[smem:$0x3FAE] =	sst s1  }
0xa: {  	[smem:$0x3FAF] =	sst s2  }
0xb: {  	[smem:$0x3FB0] =	sst s3  }
0xc: {  	[smem:$0x3FB1] =	sst s4  }
0xd: {  	[smem:$0x3FB2] =	sst s5  }
0xe: {  	[smem:$0x3FB3] =	sst s6  }
0xf: {  	[smem:$0x3FB4] =	sst s7  }
0x10: {  	[smem:$0x3FB5] =	sst s8  }
0x11: {  	[smem:$0x3FB6] =	sst s9;
	s0 =	simm.s32 @!p0 $0x0  }
0x12: {  	s1 =	sld [smem:$0x3F9C];
	s0 =	simm.s32 @p0 $0x1  }
0x13: {  	[smem:$0x3FB7] =	sst s0;
	s0 =	simm.s32 @!p1 $0x0  }
0x14: {  	s2 =	sld [smem:$0x3F9B];
	s0 =	simm.s32 @p1 $0x1  }
0x15: {  	[smem:$0x3FB8] =	sst s0;
	s0 =	simm.s32 @!p2 $0x0  }
0x16: {  	s3 =	sld [smem:$0x3FDB];
	s0 =	simm.s32 @p2 $0x1  }
0x17: {  	s4 =	simm.s32 $0x1BF5;
	[smem:$0x3FBA] =	sst s0  }
0x18: {  	s0 =	sld [smem:$0x3F9D];
	_ =	swait.ge [sflag:s4], $0x0  }
0x19: {  	s7 =	sld [smem:$0x3F9E]  }
0x1a: {  	s8 =	sadd.s32 $0xFFFFE003, lr  }
0x1b: {  	s9 =	sadd.s32 $0xFFFFFEF7, lr;
	s5 =	simm.s32 $0xFFFFFFFF;
	p2 =	slt.u32 s8, $0xFFFFF086  }
0x1c: {  	p1 =	slt.u32 s9, $0xF7A;
	s5 =	simm.s32 @!p2 $0x0  }
0x1d: {  	s5 =	simm.s32 @p1 $0x1;
	p0 =	seq.s32 s7, s2  }
0x1e: {  	s7 =	smul.u32 @!p0 $0xF7A, s2;
	p2 =	seq.s32 @!p0 s5, $0x0  }
0x1f: {  	s9 =	smul.u32 $0xF7A, s1;
	s8 =	simm.s32 @!p0 $0x1BF5;
	p2 =	por !p2, p0  }
0x20: {  	[sflag:s8] =	ssyncset.s32 @!p0 $0xFFFFF086;
	s6 =	sadd.s32 @!p0 s3, s7;
	s7 =	simm.s32 @!p0 $0x108  }
0x21: {  	s3 =	sadd.s32 s3, s9;
	s6 =	sadd.s32 @!p0 $0x88, s6;
	s7 =	simm.s32 @p2 $0x1082  }
0x22: {  	[simem:s7], [sflag:s8] =	dma.local @!p0 [hbm:s6], $0xF7A  }
0x23: {  	s9 =	sor.u32 $0xD0000000, s2;
	s6 =	simm.s32 $0x108;
	_ =	swait.ge @!p0 [sflag:s8], $0x0  }
0x24: {  	s3 =	sadd.s32 $0x88, s3;
	s6 =	simm.s32 @!p1 $0x1082;
	[sflag:s4] =	ssyncset.s32 $0xFFFFF086  }
0x25: {  	[simem:s6], [sflag:s4] =	dma.local [hbm:s3], $0xF7A  }
0x26: {  	[smem:$0x3F9E] =	sst s1;
	(tag) =	ssettag s2;
	_ =	strace s9  }
0x27: {  	s1 =	sld [smem:$0x3FAE]  }
0x28: {  	s2 =	sld [smem:$0x3FAF]  }
0x29: {  	s4 =	sld [smem:$0x3FB1]  }
0x2a: {  	p0 =	seq.s32 s5, $0x0;
	s5 =	sld [smem:$0x3FB2]  }
0x2b: {  	s6 =	sld [smem:$0x3FB3]  }
0x2c: {  	s7 =	sld [smem:$0x3FB4]  }
0x2d: {  	s3 =	simm.s32 $0x108;
	s8 =	sld [smem:$0x3FB5]  }
0x2e: {  	s3 =	simm.s32 @!p0 $0x1082;
	s9 =	sld [smem:$0x3FB6]  }
0x2f: {  	lr =	sadd.s32 s0, s3;
	s0 =	sld [smem:$0x3FAD]  }
0x30: {  	s3 =	sld [smem:$0x3FB0]  }
0x31: {  	[smem:$0x3FB9] =	sst s10  }
0x32: {  	s10 =	sld [smem:$0x3FB7];
	_ =	sdelay $0x3  }
0x33: {  	p0 =	seq.s32 s10, $0x1;
	s10 =	sld [smem:$0x3FB9];
	_ =	sdelay $0x3  }
0x34: {  	[smem:$0x3FB9] =	sst s10  }
0x35: {  	s10 =	sld [smem:$0x3FB8];
	_ =	sdelay $0x3  }
0x36: {  	p1 =	seq.s32 s10, $0x1;
	s10 =	sld [smem:$0x3FB9];
	_ =	sdelay $0x3  }
0x37: {  	[smem:$0x3FB9] =	sst s10  }
0x38: {  	s10 =	sld [smem:$0x3FBA]  }
0x39: {  	_ = 	snop;
	(pc) =	sbr.ind lr, $3  }
0x3a: {  	_ = 	snop  }
0x3b: {  	_ = 	snop  }
0x3c: {  	p2 =	seq.s32 s10, $0x1;
	s10 =	sld [smem:$0x3FB9]  }
0x3d: {  	_ =	shalt  }
0x3e: {  	_ =	shalt  }
0x3f: {  	_ =	shalt  }
0x40: {  	_ =	shalt  }
0x41: {  	_ =	shalt  }
0x42: {  	_ =	shalt  }
0x43: {  	_ =	shalt  }
0x44: {  	_ =	shalt  }
0x45: {  	_ =	shalt  }
0x46: {  	_ =	shalt  }
0x47: {  	_ =	shalt  }
0x48: {  	_ =	shalt  }
0x49: {  	_ =	shalt  }
0x4a: {  	_ =	shalt  }
0x4b: {  	_ =	shalt  }
0x4c: {  	_ =	shalt  }
0x4d: {  	_ =	shalt  }
0x4e: {  	_ =	shalt  }
0x4f: {  	_ =	shalt  }
0x50: {  	_ =	shalt  }
0x51: {  	_ =	shalt  }
0x52: {  	_ =	shalt  }
0x53: {  	_ =	shalt  }
0x54: {  	_ =	shalt  }
0x55: {  	_ =	shalt  }
0x56: {  	_ =	shalt  }
0x57: {  	_ =	shalt  }
0x58: {  	_ =	shalt  }
0x59: {  	_ =	shalt  }
0x5a: {  	_ =	shalt  }
0x5b: {  	_ =	shalt  }
0x5c: {  	_ =	shalt  }
0x5d: {  	_ =	shalt  }
0x5e: {  	_ =	shalt  }
0x5f: {  	_ =	shalt  }
0x60: {  	_ =	shalt  }
0x61: {  	_ =	shalt  }
0x62: {  	_ =	shalt  }
0x63: {  	_ =	shalt  }
0x64: {  	_ =	shalt  }
0x65: {  	_ =	shalt  }
0x66: {  	_ =	shalt  }
0x67: {  	_ =	shalt  }
0x68: {  	_ =	shalt  }
0x69: {  	_ =	shalt  }
0x6a: {  	_ =	shalt  }
0x6b: {  	_ =	shalt  }
0x6c: {  	_ =	shalt  }
0x6d: {  	_ =	shalt  }
0x6e: {  	_ =	shalt  }
0x6f: {  	_ =	shalt  }
0x70: {  	_ =	shalt  }
0x71: {  	_ =	shalt  }
0x72: {  	_ =	shalt  }
0x73: {  	_ =	shalt  }
0x74: {  	_ =	shalt  }
0x75: {  	_ =	shalt  }
0x76: {  	_ =	shalt  }
0x77: {  	_ =	shalt  }
0x78: {  	_ =	shalt  }
0x79: {  	_ =	shalt  }
0x7a: {  	_ =	shalt  }
0x7b: {  	_ =	shalt  }
0x7c: {  	_ =	shalt  }
0x7d: {  	_ =	shalt  }
0x7e: {  	_ =	shalt  }
0x7f: {  	_ =	shalt  }
0x80: {  	_ =	shalt  }
0x81: {  	_ =	shalt  }
0x82: {  	_ =	shalt  }
0x83: {  	_ =	shalt  }
0x84: {  	_ =	shalt  }
0x85: {  	_ =	shalt  }
0x86: {  	_ =	shalt  }
0x87: {  	_ =	shalt  }
.Lfunc_end0:
.L_simem_size_0:
called_computation_lowered:
.L_overlay_start_0:
0x88: {  	s2 =	sld [smem:$0x3FD9]  }
0x89: {  	s3 =	sld [smem:$0x3FFE];
	_ =	sdelay $0x1  }
0x8a: {  	s1 =	srdreg.scid  }
0x8b: {  	s0 =	sand.u32 $0x1, s1  }
0x8c: {  	s14 =	sshll.u32 s0, $0xA;
	s2 =	sadd.s32 s3, s2  }
0x8d: {  	s2 =	sadd.s32 s2, s14  }
0x8e: {  	[smem:$0x3FC5] =	sst s2  }
0x8f: {  	_ = 	snop  }
0x90: {  	s2 =	sld [smem:$0x3FD0];
	_ =	sdelay $0x2  }
0x91: {  	s15 =	simm.s32 $0xA;
	s4 =	simm.s32 $0x10  }
0x92: {  	[smem:s4], [sflag:s15] =	dma.local [hbm:s2], $0x1  }
0x93: {  	_ =	swait.eq [sflag:s15], $0x1  }
0x94: {  	[sflag:s15] =	ssyncset.done $0x0  }
0x95: {  	[sflag:s15] =	ssyncadd.s32 $0xFFFFFFFF  }
0x96: {  	s16 =	sld [smem:$0x10];
	(tm) =	ssettm $0x1  }
0x97: {  	s17 =	sld [smem:$0x3FFB];
	_ =	sdelay $0x3  }
0x98: {  	_ =	strace s17  }
0x99: {  	s3 =	sld [smem:$0x3FFC];
	_ =	sdelay $0x3  }
0x9a: {  	_ =	strace s3  }
0x9b: {  	s3 =	sld [smem:$0x3FFD];
	_ =	sdelay $0x3  }
0x9c: {  	_ =	strace s3  }
0x9d: {  	_ =	strace $0x8FFFFFFF  }
0x9e: {  	s18 =	sld [smem:$0x3FDB];
	_ =	sdelay $0x1  }
0x9f: {  	s19 =	simm.s32 $_scs_section_size  }
0xa0: {  	s5 =	simm.s32 $_size__tile_overlayer_lowered;
	s6 =	simm.s32 $_tile_overlayer_lowered  }
0xa1: {  	s22 =	simm.s32 $0x1BFF;
	s21 =	sshll.u32 s6, $0x1;
	s3 =	sadd.s32 s19, s18  }
0xa2: {  	s7 =	simm.s32 $0x0;
	s20 =	sshll.u32 s5, $0x1;
	s5 =	sadd.s32 s21, s3  }
0xa3: {  	[timem:s7], [sflag:s22] =	dma.local [hbm:s5], s20  }
0xa4: {  	_ =	swait.ge [sflag:s22], s20  }
0xa5: {  	s4 =	ssub.s32 $0x0, s20;
	[sflag:s22] =	ssyncset.done $0x0  }
0xa6: {  	[sflag:s22] =	ssyncadd.s32 s4;
	_ =	sdelay $0x1  }
0xa7: {  	s23 =	simm.s32 $0x1B8B  }
0xa8: {  	_ =	swait.ge [sflag:s23], $0x1  }
0xa9: {  	[sflag:s23] =	ssyncset.done $0x0  }
0xaa: {  	s25 =	simm.s32 $0x1B8E;
	s24 =	sld [smem:$0x3FFE];
	[sflag:s23] =	ssyncadd.s32 $0xFFFFFFFF  }
0xab: {  	s26 =	simm.s32 $execute0_lowered;
	[smem:$0x3FD2] =	sst s25  }
0xac: {  	s5 =	sshll.u32 s26, $0x1;
	_ =	strace $0x80000046;
	[dreg:$0x1] =	wrdreg $0xFFFFFFFF  }
0xad: {  	s28 =	simm.s32 $_size_execute0_lowered;
	s3 =	sadd.s32 s3, s5;
	[dreg:$0x0] =	wrdreg $0x0  }
0xae: {  	s5 =	sshll.u32 s28, $0x1;
	[dreg:$0x2] =	wrdreg s3  }
0xaf: {  	[dreg:$0x3] =	wrdreg s5  }
0xb0: {  	[dreg:$0x4] =	wrdreg $0xC0  }
0xb1: {  	_ =	task [dreg:s7], $0x5FFFF  }
0xb2: {  	[dreg:$0x1] =	wrdreg $0xFFFFFFFF  }
0xb3: {  	[dreg:$0x0] =	wrdreg $0x60  }
0xb4: {  	[dreg:$0x2] =	wrdreg s24  }
0xb5: {  	[dreg:$0x3] =	wrdreg s16  }
0xb6: {  	[dreg:$0x4] =	wrdreg $0x9  }
0xb7: {  	_ =	task.clear_ibuf [dreg:s7], $0x5FFFF;
	_ =	strace $0x90000046  }
0xb8: {  	s29 =	simm.s32 $0x9;
	_ =	strace $0x80000048  }
0xb9: {  	_ =	swait.ge [sflag:s29], $0x1  }
0xba: {  	[sflag:s29] =	ssyncadd.s32 $0xFFFFFFFF  }
0xbb: {  	_ =	strace $0x90000048  }
0xbc: {  	_ =	sfence  }
0xbd: {  	s30 =	sld [smem:$0x0];
	_ =	sdelay $0x2  }
0xbe: {  	s31 =	sshll.u32 s1, $0xD;
	s1 =	sshrl.u32 s1, $0x2  }
0xbf: {  	s3 =	sand.u32 $0x4000, s31;
	s1 =	sadd.s32 s1, s30  }
0xc0: {  	s0 =	sor.u32 s3, s0;
	s1 =	sshll.u32 s1, $0x11  }
0xc1: {  	s0 =	sor.u32 s1, s0  }
0xc2: {  	s0 =	sadd.s32 $0x8F2B, s0  }
0xc3: {  	[sflag:s0] =	ssyncadd.remote.s32 $0x1  }
0xc4: {  	_ =	sfence.sel $0xFFFF  }
0xc5: {  	[dreg:$0x0] =	wrdreg $0xFFFFFFFF;
	(pc) =	sbr.abs _section_cstart, $3  }
0xc6: {  	[dreg:$0x1] =	wrdreg $0xFFFFFFFF  }
0xc7: {  	_ =	task.clear_ibuf [dreg:s7], $0x2FFFF;
	_ =	strace $0x9FFFFFFF  }
0xc8: {  	(tm) =	ssettm $0x7FFFFFFF  }
0xc9: {  	_ =	shalt  }
tec
execute0_lowered:
.L_overlay_start_1:
0x0: {  	(tag) =	ssettag $0x1  }
0x1: {  	s4 =	rddreg [dreg:$0x0];
	s1 =	srdreg.scid  }
0x2: {  	s0 =	stileid.u32;
	s6 =	rddreg [dreg:$0x1];
	s2 =	simm.s32 $0x0  }
0x3: {  	s11 =	simm.s32 $0x0;
	s5 =	sand.u32 $0x1, s1;
	s1 =	rddreg [dreg:$0x2]  }
0x4: {  	s3 =	sshll.u32 s0, $0x1;
	[smem:$0x7FF] =	sst s2;
	s10 =	smul.u32 $0xC800, s0  }
0x5: {  	s3 =	sor.u32 s5, s3;
	_ =	strace $0x80000047;
	s31 =	smul.u32 $0x6400, s5  }
0x6: {  	s8 =	ssub.s32 $0x2, s5;
	s7 =	smul.u32 $0x1900, s3;
	s3 =	sadd.s32 $0xF42C00, s4  }
0x7: {  	s9 =	sshrl.u32 s8, $0x1;
	s6 =	sadd.s32 s10, s6;
	s10 =	simm.s32 $0x1  }
0x8: {  	s30 =	ssub.s32 s8, s9;
	s6 =	sadd.s32 s31, s6;
	s7 =	sshrl.u32 s7, $0x3  }
0x9: {  	s8 =	simm.s32 $0x80;
	s9 =	simm.s32 $0x1900;
	s4 =	sadd.s32 s7, s4  }
0xa: {  	s5 =	smax.u32 s30, $0x1;
	s7 =	simm.s32 $0x2;
	s4 =	sadd.s32 $0x800, s4  }
.LBB2_1:
0xb: {  	[tilespmem:s2], [sflag:$0x2] =	stream.linear.gather [hbm4b:s4+s2], $0x1900, $0x38;
	[tilespmem:$0x2900] =	vst v63  }
0xc: {  	_ =	swait.ge [sflag:s7], $0x1900  }
0xd: {  	[sflag:s7] =	ssyncset.done $0x0  }
0xe: {  	s12 =	simm.s32 $0x0;
	[sflag:s7] =	ssyncadd.s32 $0xFFFFE700  }
0xf: {  	[tilespmem:s9], [sflag:$0x1] =	stream.indirect.gather [hbm4b:s3+s8], $0x20, s12, s8, $0xb8;
	[tilespmem:$0x2900] =	vst v63  }
0x10: {  	_ =	swait.ge [sflag:s10], $0x1000  }
0x11: {  	[sflag:s10] =	ssyncset.done $0x0  }
0x12: {  	s31 =	sadd.s32 $0x0, s6;
	[sflag:s10] =	ssyncadd.s32 $0xFFFFF000  }
0x13: {  	[hbm4b:s31+s2] =	stream.linear.scatter [tilespmem:s9], [sflag:$0x2], $0x1000, $0x38;
	[tilespmem:$0x2900] =	vst v63  }
0x14: {  	_ =	swait.ge [sflag:s7], $0x1000  }
0x15: {  	s13 =	simm.s32 $0x400;
	s12 =	simm.s32 $0x200;
	[sflag:s7] =	ssyncset.done $0x0  }
.LBB2_2:
0x16: {  	s14 =	sshra.s32 s12, $0x2  }
0x17: {  	[sflag:s7] =	ssyncadd.s32 $0xFFFFF000;
	s15 =	smov.u32 s13;
	s16 =	sadd.s32 $0x200, s13  }
0x18: {  	[tilespmem:s9], [sflag:$0x1] =	stream.indirect.gather [hbm4b:s3+s8], $0x20, s14, s8, $0xb8;
	[tilespmem:$0x2900] =	vst v63  }
0x19: {  	p0 =	sne.s32 s13, $0x6200;
	_ =	swait.ge [sflag:s10], $0x1000  }
.Ltmp0:
0x1a: {  	[sflag:s10] =	ssyncset.done $0x0;
	(pc) =	sbr.rel @p0 .LBB2_2-.Ltmp0, $4  }
0x1b: {  	s13 =	sadd.s32 s12, s6;
	s12 =	smov.u32 s15;
	[sflag:s10] =	ssyncadd.s32 $0xFFFFF000  }
0x1c: {  	[hbm4b:s13+s2] =	stream.linear.scatter [tilespmem:s9], [sflag:$0x2], $0x1000, $0x38;
	[tilespmem:$0x2900] =	vst v63  }
0x1d: {  	_ =	swait.ge [sflag:s7], $0x1000  }
0x1e: {  	s13 =	smov.u32 s16;
	[sflag:s7] =	ssyncset.done $0x0  }
0x1f: {  	s13 =	sshra.s32 s12, $0x2;
	[sflag:s7] =	ssyncadd.s32 $0xFFFFF000  }
0x20: {  	[tilespmem:s9], [sflag:$0x1] =	stream.indirect.gather [hbm4b:s3+s8], $0x20, s13, s8, $0xb8;
	[tilespmem:$0x2900] =	vst v63  }
0x21: {  	s11 =	sadd.s32 $0x1, s11;
	_ =	swait.ge [sflag:s10], $0x1000  }
0x22: {  	p0 =	sne.s32 s11, s5;
	[sflag:s10] =	ssyncset.done $0x0  }
.Ltmp1:
0x23: {  	s31 =	sadd.s32 s12, s6;
	[sflag:s10] =	ssyncadd.s32 $0xFFFFF000;
	(pc) =	sbr.rel @p0 .LBB2_1-.Ltmp1, $4  }
0x24: {  	[hbm4b:s31+s2] =	stream.linear.scatter [tilespmem:s9], [sflag:$0x2], $0x1000, $0x38;
	[tilespmem:$0x2900] =	vst v63  }
0x25: {  	_ =	swait.ge [sflag:s7], $0x1000  }
0x26: {  	[sflag:s7] =	ssyncset.done $0x0  }
0x27: {  	[sflag:s7] =	ssyncadd.s32 $0xFFFFF000  }
0x28: {  	_ =	sfence.sel $0x180000  }
0x29: {  	[bflag:$0x0] =	sbarrier.arrive $0xFFFF  }
0x2a: {  	p0 =	sne.s32 s0, $0x0;
	_ =	strace $0x90000047  }
0x2b: {  	s0 =	sadd.s32 @!p0 $0x100000, s1;
	[bflag:$0x2] =	sbarrier.arrive $0xFFFF  }
0x2c: {  	[sflag:s0] =	ssyncadd.tile.s32 @!p0 $0x1;
	_ =	shalt  }
.Lfunc_end2:
_tile_overlayer_lowered:
.L_overlay_start_2:
0x2d: {  	(tag) =	ssettag $0x2  }
0x2e: {  	s0 =	rddreg [dreg:$0x0];
	s2 =	stileid.u32  }
0x2f: {  	s1 =	rddreg [dreg:$0x1];
	p0 =	sne.s32 s2, $0x0  }
0x30: {  	s3 =	rddreg [dreg:$0x2];
	[bflag:$0x3] =	sbarrier.arrive $0xFFFF;
	s2 =	simm.s32 @!p0 $0x1C02  }
0x31: {  	[timem:s3], [sflag:s2] =	dma.local @!p0 [hbm:s0], s1  }
0x32: {  	s0 =	simm.s32 @!p0 $0x2  }
0x33: {  	_ =	swait.ge @!p0 [sflag:s0], s1  }
0x34: {  	s1 =	ssub.s32 @!p0 $0x0, s1;
	[sflag:s0] =	ssyncset.done @!p0 $0x0  }
0x35: {  	[sflag:s0] =	ssyncadd.s32 @!p0 s1  }
0x36: {  	[bflag:$0x3] =	sbarrier.arrive $0xFFFF  }
0x37: {  	_ =	shalt  }

</sc_bundles>
